<compile_context>
chip_gen: v7x
topology: tpu7x:2x2x1
jax: 0.10.2.dev20260603
libtpu: 0.0.44.dev20260713+nightly
codegen_flags: <defaults>
</compile_context>

<pallas_src>
import jax
import jax.numpy as jnp
from jax import lax
from jax.experimental import pallas as pl
from jax.experimental.pallas import tpu as pltpu
from jax.experimental.pallas import tpu_sc as plsc

VOCAB = 1000000
EMB = 24
W = 128


def _sc_body(idx_hbm, mt_hbm, uv_hbm, out_hbm, idx_v, uv_v, blk_v, res_v, sem):
    cid = lax.axis_index("c")
    sid = lax.axis_index("s")

    @pl.when((cid == 0) & (sid == 0))
    def _():
        cp_i = pltpu.make_async_copy(idx_hbm, idx_v.at[pl.ds(0, 1)], sem)
        cp_i.start()
        cp_u = pltpu.make_async_copy(uv_hbm, uv_v, sem)
        cp_u.start()
        cp_i.wait()
        cp_u.wait()
        i = idx_v[...][0]
        base = pl.multiple_of((i // W) * W, W)
        pltpu.sync_copy(mt_hbm.at[:, pl.ds(base, W)], blk_v)
        lane = i - base
        c16 = lax.iota(jnp.int32, 16)
        lane_v = jnp.full((16,), lane, jnp.int32)
        g1 = plsc.load_gather(blk_v, [c16, lane_v])
        u1 = plsc.load_gather(uv_v, [c16])
        c2 = c16 + 16
        c2c = jnp.minimum(c2, EMB - 1)
        g2 = plsc.load_gather(blk_v, [c2c, lane_v])
        u2 = plsc.load_gather(uv_v, [c2c])
        valid = c2 < EMB
        p = g1 * u1 + jnp.where(valid, g2 * u2, 0.0)
        s = jnp.sum(p)
        x = jnp.full((16,), s, jnp.float32)
        sig = 1.0 / (1.0 + jnp.exp(-x))
        res_v[...] = sig
        pltpu.sync_copy(res_v.at[pl.ds(0, 1)], out_hbm)


def kernel(input, matrix, user_vector):
    idx = jnp.asarray(input, jnp.int32).reshape((1,))
    mt = matrix.T
    uv = user_vector.reshape((EMB,))
    mesh = plsc.VectorSubcoreMesh(core_axis_name="c", subcore_axis_name="s")
    k = pl.kernel(
        _sc_body,
        out_type=jax.ShapeDtypeStruct((1,), jnp.float32),
        mesh=mesh,
        scratch_types=[
            pltpu.VMEM((16,), jnp.int32),
            pltpu.VMEM((EMB,), jnp.float32),
            pltpu.VMEM((EMB, W), jnp.float32),
            pltpu.VMEM((16,), jnp.float32),
            pltpu.SemaphoreType.DMA,
        ],
        compiler_params=pltpu.CompilerParams(
            use_tc_tiling_on_sc=True, needs_layout_passes=False,
            skip_device_barrier=True),
    )
    return k(idx, mt, uv)

# --- scband reference (transcript-rebuilt; emitter-appended) ---
"""Pipeline reference for scband-rlmodel-31164282700506 (READ-ONLY COPY).

The authoritative reference and input builder live on the scoring server;
editing this copy changes nothing except your own understanding.
"""

import jax, jax.numpy as jnp
import numpy as np

VOCAB = 1000000
EMB_DIM = 24

def setup_inputs(seed: int = 0) -> dict:
    key = jax.random.key(seed)
    k1, k2 = jax.random.split(key)
    matrix = jax.random.normal(k1, (VOCAB, EMB_DIM), dtype=jnp.float32)
    # learned parameter: embedding table with a single row (user_vector)
    user_vector = jax.random.normal(k2, (1, EMB_DIM), dtype=jnp.float32)
    return {"input": 777216, "matrix": matrix, "user_vector": user_vector}

def reference(input, matrix, user_vector):
    # book_vec = matrix[int(input)]
    book_vec = jnp.take(matrix, input, axis=0)
    # embedding lookup of row 0 -> user_vector itself, shape (1, 24)
    emb = jnp.take(user_vector, jnp.array([0], dtype=jnp.int32), axis=0)
    result = (emb * book_vec.reshape(1, EMB_DIM)).sum(axis=1)
    return jax.nn.sigmoid(result)

if __name__ == "__main__":
    import jax
    _d = setup_inputs()
    print(jax.jit(kernel)(*tuple(_d.values())))

</pallas_src>

<mosaic_0001>
#map = affine_map<(d0, d1) -> (0)>
#map1 = affine_map<(d0, d1) -> (0, 0)>
module attributes {stable_mosaic.version = 14 : i64} {
  func.func @_sc_body(%arg0: i32, %arg1: i32, %arg2: memref<1xi32, #tpu.memory_space<hbm>>, %arg3: memref<24x1000000xf32, #tpu.memory_space<hbm>>, %arg4: memref<24xf32, #tpu.memory_space<hbm>>, %arg5: memref<1xf32, #tpu.memory_space<hbm>>, %arg6: memref<16xi32, #tpu.memory_space<vmem>>, %arg7: memref<24xf32, #tpu.memory_space<vmem>>, %arg8: memref<24x128xf32, #tpu.memory_space<vmem>>, %arg9: memref<16xf32, #tpu.memory_space<vmem>>, %arg10: memref<!tpu.dma_semaphore, #tpu.memory_space<semaphore_mem>>) attributes {dimension_semantics = [#tpu.dimension_semantics<core_parallel>, #tpu.dimension_semantics<subcore_parallel>], iteration_bounds = array<i64: 2, 16>, scalar_prefetch = 0 : i64, scratch_operands = 5 : i64, tpu.core_type = #tpu.core_type<sc_vector_subcore>, window_params = [{transform_indices = #map}, {transform_indices = #map1}, {transform_indices = #map}, {transform_indices = #map}]} {
    %eq3A = arith.constant 0 : i32
    %eq3A_0 = arith.cmpi eq, %arg0, %eq3A : i32
    %eq3A_1 = arith.constant 0 : i32
    %eq3A_2 = arith.cmpi eq, %arg1, %eq3A_1 : i32
    %and3A = arith.andi %eq3A_0, %eq3A_2 : i1
    %convert_element_type3A = arith.extui %and3A : i1 to i32
    %cond3A = arith.constant 0 : i32
    %cond3A_3 = arith.cmpi ne, %convert_element_type3A, %cond3A : i32
    scf.if %cond3A_3 {
      %dma_start3A = arith.constant 0 : i32
      %dma_start3A_4 = tpu.memref_slice %arg6[%dma_start3A] : memref<16xi32, #tpu.memory_space<vmem>> -> memref<1xi32, #tpu.memory_space<vmem>>
      %dma_start3A_5 = arith.constant 0 : i32
      %dma_start3A_6 = tpu.memref_slice %arg6[%dma_start3A_5] : memref<16xi32, #tpu.memory_space<vmem>> -> memref<1xi32, #tpu.memory_space<vmem>>
      tpu.enqueue_dma source(%arg2 : memref<1xi32, #tpu.memory_space<hbm>>) target(%dma_start3A_6 : memref<1xi32, #tpu.memory_space<vmem>>) target_semaphore(%arg10 : memref<!tpu.dma_semaphore, #tpu.memory_space<semaphore_mem>>)
      tpu.enqueue_dma source(%arg4 : memref<24xf32, #tpu.memory_space<hbm>>) target(%arg7 : memref<24xf32, #tpu.memory_space<vmem>>) target_semaphore(%arg10 : memref<!tpu.dma_semaphore, #tpu.memory_space<semaphore_mem>>)
      %dma_wait3A = arith.constant 0 : i32
      %dma_wait3A_7 = tpu.memref_slice %arg6[%dma_wait3A] : memref<16xi32, #tpu.memory_space<vmem>> -> memref<1xi32, #tpu.memory_space<vmem>>
      %dma_wait3A_8 = arith.constant 0 : i32
      %dma_wait3A_9 = tpu.memref_slice %arg6[%dma_wait3A_8] : memref<16xi32, #tpu.memory_space<vmem>> -> memref<1xi32, #tpu.memory_space<vmem>>
      tpu.wait_dma2 semaphore(%arg10 : memref<!tpu.dma_semaphore, #tpu.memory_space<semaphore_mem>>) src(%arg2 : memref<1xi32, #tpu.memory_space<hbm>>) dst(%dma_wait3A_9 : memref<1xi32, #tpu.memory_space<vmem>>)
      tpu.wait_dma2 semaphore(%arg10 : memref<!tpu.dma_semaphore, #tpu.memory_space<semaphore_mem>>) src(%arg4 : memref<24xf32, #tpu.memory_space<hbm>>) dst(%arg7 : memref<24xf32, #tpu.memory_space<vmem>>)
      %get3A = arith.constant 0 : index
      %get3A_10 = tpu.vector_load %arg6[%get3A] {strides = array<i32>} : memref<16xi32, #tpu.memory_space<vmem>>, vector<16xi32>,
      %slice3A = vector.extract_strided_slice %get3A_10 {offsets = [0], sizes = [1], strides = [1]} : vector<16xi32> to vector<1xi32>
      %squeeze3A = vector.extract %slice3A[0] : i32 from vector<1xi32>
      %jit3A = arith.constant 128 : i32
      %div3A = arith.divsi %squeeze3A, %jit3A : i32
      %sign3A = arith.constant 0 : i32
      %sign3A_11 = arith.cmpi sgt, %squeeze3A, %sign3A : i32
      %sign3A_12 = arith.extui %sign3A_11 : i1 to i32
      %sign3A_13 = arith.constant 0 : i32
      %sign3A_14 = arith.cmpi slt, %squeeze3A, %sign3A_13 : i32
      %sign3A_15 = arith.extui %sign3A_14 : i1 to i32
      %sign3A_16 = arith.subi %sign3A_12, %sign3A_15 : i32
      %sign3A_17 = arith.constant 0 : i32
      %sign3A_18 = arith.cmpi sgt, %jit3A, %sign3A_17 : i32
      %sign3A_19 = arith.extui %sign3A_18 : i1 to i32
      %sign3A_20 = arith.constant 0 : i32
      %sign3A_21 = arith.cmpi slt, %jit3A, %sign3A_20 : i32
      %sign3A_22 = arith.extui %sign3A_21 : i1 to i32
      %sign3A_23 = arith.subi %sign3A_19, %sign3A_22 : i32
      %ne3A = arith.cmpi ne, %sign3A_16, %sign3A_23 : i32
      %rem3A = arith.remsi %squeeze3A, %jit3A : i32
      %ne3A_24 = arith.constant 0 : i32
      %ne3A_25 = arith.cmpi ne, %rem3A, %ne3A_24 : i32
      %and3A_26 = arith.andi %ne3A, %ne3A_25 : i1
      %sub3A = arith.constant 1 : i32
      %sub3A_27 = arith.subi %div3A, %sub3A : i32
      %select_n3A = arith.select %and3A_26, %sub3A_27, %div3A : i32
      %mul3A = arith.constant 128 : i32
      %mul3A_28 = arith.muli %select_n3A, %mul3A : i32
      %multiple_of3A = tpu.assume_multiple %mul3A_28, 128 : i32
      "tpu.region"() ({
        %run_scoped3A = tpu.sem_alloc : memref<!tpu.dma_semaphore, #tpu.memory_space<semaphore_mem>>
        %dma_start3A_58 = arith.constant 0 : i32
        %dma_start3A_59 = tpu.memref_slice %arg3[%dma_start3A_58, %multiple_of3A] : memref<24x1000000xf32, #tpu.memory_space<hbm>> -> memref<24x128xf32, #tpu.memory_space<hbm>>
        %dma_start3A_60 = arith.constant 0 : i32
        %dma_start3A_61 = tpu.memref_slice %arg3[%dma_start3A_60, %multiple_of3A] : memref<24x1000000xf32, #tpu.memory_space<hbm>> -> memref<24x128xf32, #tpu.memory_space<hbm>>
        tpu.enqueue_dma source(%dma_start3A_61 : memref<24x128xf32, #tpu.memory_space<hbm>>) target(%arg8 : memref<24x128xf32, #tpu.memory_space<vmem>>) target_semaphore(%run_scoped3A : memref<!tpu.dma_semaphore, #tpu.memory_space<semaphore_mem>>)
        %dma_wait3A_62 = arith.constant 0 : i32
        %dma_wait3A_63 = tpu.memref_slice %arg3[%dma_wait3A_62, %multiple_of3A] : memref<24x1000000xf32, #tpu.memory_space<hbm>> -> memref<24x128xf32, #tpu.memory_space<hbm>>
        %dma_wait3A_64 = arith.constant 0 : i32
        %dma_wait3A_65 = tpu.memref_slice %arg3[%dma_wait3A_64, %multiple_of3A] : memref<24x1000000xf32, #tpu.memory_space<hbm>> -> memref<24x128xf32, #tpu.memory_space<hbm>>
        tpu.wait_dma2 semaphore(%run_scoped3A : memref<!tpu.dma_semaphore, #tpu.memory_space<semaphore_mem>>) src(%dma_wait3A_65 : memref<24x128xf32, #tpu.memory_space<hbm>>) dst(%arg8 : memref<24x128xf32, #tpu.memory_space<vmem>>)
        tpu.yield
      }) : () -> ()
      %sub3A_29 = arith.subi %squeeze3A, %multiple_of3A : i32
      %iota3A = tpu.iota {dimensions = array<i32: 0>} : vector<16xi32>
      %broadcast_in_dim3A = vector.broadcast %sub3A_29 : i32 to vector<16xi32>
      %gather3A = tpu.vector_load_idx %arg8[%iota3A, %broadcast_in_dim3A] : memref<24x128xf32, #tpu.memory_space<vmem>>[vector<16xi32>, vector<16xi32>], vector<16xf32>,
      %gather3A_30 = tpu.vector_load_idx %arg7[%iota3A] : memref<24xf32, #tpu.memory_space<vmem>>[vector<16xi32>], vector<16xf32>,
      %add3A = arith.constant 16 : i32
      %add3A_31 = vector.broadcast %add3A : i32 to vector<16xi32>
      %add3A_32 = arith.addi %iota3A, %add3A_31 : vector<16xi32>
      %min3A = arith.constant 23 : i32
      %min3A_33 = vector.broadcast %min3A : i32 to vector<16xi32>
      %min3A_34 = arith.minsi %add3A_32, %min3A_33 : vector<16xi32>
      %gather3A_35 = tpu.vector_load_idx %arg8[%min3A_34, %broadcast_in_dim3A] : memref<24x128xf32, #tpu.memory_space<vmem>>[vector<16xi32>, vector<16xi32>], vector<16xf32>,
      %gather3A_36 = tpu.vector_load_idx %arg7[%min3A_34] : memref<24xf32, #tpu.memory_space<vmem>>[vector<16xi32>], vector<16xf32>,
      %lt3A = arith.constant 24 : i32
      %lt3A_37 = vector.broadcast %lt3A : i32 to vector<16xi32>
      %lt3A_38 = arith.cmpi slt, %add3A_32, %lt3A_37 : vector<16xi32>
      %mul3A_39 = arith.mulf %gather3A, %gather3A_30 : vector<16xf32>
      %mul3A_40 = arith.mulf %gather3A_35, %gather3A_36 : vector<16xf32>
      %jit3A_41 = arith.constant 0.000000e+00 : f32
      %broadcast_in_dim3A_42 = vector.broadcast %jit3A_41 : f32 to vector<16xf32>
      %select_n3A_43 = arith.select %lt3A_38, %mul3A_40, %broadcast_in_dim3A_42 : vector<16xi1>, vector<16xf32>
      %add3A_44 = arith.addf %mul3A_39, %select_n3A_43 : vector<16xf32>
      %reduce_sum3A = arith.constant true
      %reduce_sum3A_45 = vector.broadcast %reduce_sum3A : i1 to vector<16xi1>
      %reduce_sum3A_46 = tpu.scan <sum>, %add3A_44 masked %reduce_sum3A_45 : vector<16xf32>, vector<16xi1> -> vector<16xf32>
      %reduce_sum3A_47 = vector.extract %reduce_sum3A_46[15] : f32 from vector<16xf32>
      %broadcast_in_dim3A_48 = vector.broadcast %reduce_sum3A_47 : f32 to vector<16xf32>
      %neg3A = arith.constant 0.000000e+00 : f32
      %neg3A_49 = vector.broadcast %neg3A : f32 to vector<16xf32>
      %neg3A_50 = arith.subf %neg3A_49, %broadcast_in_dim3A_48 : vector<16xf32>
      %exp3A = math.exp %neg3A_50 : vector<16xf32>
      %add3A_51 = arith.constant 1.000000e+00 : f32
      %add3A_52 = vector.broadcast %add3A_51 : f32 to vector<16xf32>
      %add3A_53 = arith.addf %add3A_52, %exp3A : vector<16xf32>
      %div3A_54 = arith.constant 1.000000e+00 : f32
      %div3A_55 = vector.broadcast %div3A_54 : f32 to vector<16xf32>
      %div3A_56 = arith.divf %div3A_55, %add3A_53 : vector<16xf32>
      %swap3A = arith.constant 0 : index
      %swap3A_57 = tpu.vector_load %arg9[%swap3A] {strides = array<i32>} : memref<16xf32, #tpu.memory_space<vmem>>, vector<16xf32>,
      tpu.vector_store %arg9[%swap3A], %div3A_56 {strides = array<i32>} : memref<16xf32, #tpu.memory_space<vmem>>, vector<16xf32>,
      "tpu.region"() ({
        %run_scoped3A = tpu.sem_alloc : memref<!tpu.dma_semaphore, #tpu.memory_space<semaphore_mem>>
        %dma_start3A_58 = arith.constant 0 : i32
        %dma_start3A_59 = tpu.memref_slice %arg9[%dma_start3A_58] : memref<16xf32, #tpu.memory_space<vmem>> -> memref<1xf32, #tpu.memory_space<vmem>>
        %dma_start3A_60 = arith.constant 0 : i32
        %dma_start3A_61 = tpu.memref_slice %arg9[%dma_start3A_60] : memref<16xf32, #tpu.memory_space<vmem>> -> memref<1xf32, #tpu.memory_space<vmem>>
        tpu.enqueue_dma source(%dma_start3A_61 : memref<1xf32, #tpu.memory_space<vmem>>) target(%arg5 : memref<1xf32, #tpu.memory_space<hbm>>) target_semaphore(%run_scoped3A : memref<!tpu.dma_semaphore, #tpu.memory_space<semaphore_mem>>)
        %dma_wait3A_62 = arith.constant 0 : i32
        %dma_wait3A_63 = tpu.memref_slice %arg9[%dma_wait3A_62] : memref<16xf32, #tpu.memory_space<vmem>> -> memref<1xf32, #tpu.memory_space<vmem>>
        %dma_wait3A_64 = arith.constant 0 : i32
        %dma_wait3A_65 = tpu.memref_slice %arg9[%dma_wait3A_64] : memref<16xf32, #tpu.memory_space<vmem>> -> memref<1xf32, #tpu.memory_space<vmem>>
        tpu.wait_dma2 semaphore(%run_scoped3A : memref<!tpu.dma_semaphore, #tpu.memory_space<semaphore_mem>>) src(%dma_wait3A_65 : memref<1xf32, #tpu.memory_space<vmem>>) dst(%arg5 : memref<1xf32, #tpu.memory_space<hbm>>)
        tpu.yield
      }) : () -> ()
    } else {
    }
    return
  }
}

</mosaic_0001>

<sc_bundles>
// kernel: kernel.3.cloned.1.call-start
scs
__scs_entry_jumppad:
0x0: {  	(pc) =	sbr.rel $0x88, $3  }
0x1: {  	(tag) =	ssettag $0x0;
	lr =	simm.s32 $0x1  }
0x2: {  	[smem:$0x3F9E] =	sst lr;
	_ =	strace $0xD0000000  }
0x3: {  	_ = 	snop  }
0x4: {  	_ = 	snop  }
0x5: {  	_ = 	snop  }
0x6: {  	_ = 	snop  }
0x7: {  	_ = 	snop  }
__scs_overlays_trampoline_lowered:
0x8: {  	[smem:$0x3FAD] =	sst s0  }
0x9: {  	[smem:$0x3FAE] =	sst s1  }
0xa: {  	[smem:$0x3FAF] =	sst s2  }
0xb: {  	[smem:$0x3FB0] =	sst s3  }
0xc: {  	[smem:$0x3FB1] =	sst s4  }
0xd: {  	[smem:$0x3FB2] =	sst s5  }
0xe: {  	[smem:$0x3FB3] =	sst s6  }
0xf: {  	[smem:$0x3FB4] =	sst s7  }
0x10: {  	[smem:$0x3FB5] =	sst s8  }
0x11: {  	[smem:$0x3FB6] =	sst s9;
	s0 =	simm.s32 @!p0 $0x0  }
0x12: {  	s1 =	sld [smem:$0x3F9C];
	s0 =	simm.s32 @p0 $0x1  }
0x13: {  	[smem:$0x3FB7] =	sst s0;
	s0 =	simm.s32 @!p1 $0x0  }
0x14: {  	s2 =	sld [smem:$0x3F9B];
	s0 =	simm.s32 @p1 $0x1  }
0x15: {  	[smem:$0x3FB8] =	sst s0;
	s0 =	simm.s32 @!p2 $0x0  }
0x16: {  	s3 =	sld [smem:$0x3FDB];
	s0 =	simm.s32 @p2 $0x1  }
0x17: {  	s4 =	simm.s32 $0x1BF5;
	[smem:$0x3FBA] =	sst s0  }
0x18: {  	s0 =	sld [smem:$0x3F9D];
	_ =	swait.ge [sflag:s4], $0x0  }
0x19: {  	s7 =	sld [smem:$0x3F9E]  }
0x1a: {  	s8 =	sadd.s32 $0xFFFFE003, lr  }
0x1b: {  	s9 =	sadd.s32 $0xFFFFFEF7, lr;
	s5 =	simm.s32 $0xFFFFFFFF;
	p2 =	slt.u32 s8, $0xFFFFF086  }
0x1c: {  	p1 =	slt.u32 s9, $0xF7A;
	s5 =	simm.s32 @!p2 $0x0  }
0x1d: {  	s5 =	simm.s32 @p1 $0x1;
	p0 =	seq.s32 s7, s2  }
0x1e: {  	s7 =	smul.u32 @!p0 $0xF7A, s2;
	p2 =	seq.s32 @!p0 s5, $0x0  }
0x1f: {  	s9 =	smul.u32 $0xF7A, s1;
	s8 =	simm.s32 @!p0 $0x1BF5;
	p2 =	por !p2, p0  }
0x20: {  	[sflag:s8] =	ssyncset.s32 @!p0 $0xFFFFF086;
	s6 =	sadd.s32 @!p0 s3, s7;
	s7 =	simm.s32 @!p0 $0x108  }
0x21: {  	s3 =	sadd.s32 s3, s9;
	s6 =	sadd.s32 @!p0 $0x88, s6;
	s7 =	simm.s32 @p2 $0x1082  }
0x22: {  	[simem:s7], [sflag:s8] =	dma.local @!p0 [hbm:s6], $0xF7A  }
0x23: {  	s9 =	sor.u32 $0xD0000000, s2;
	s6 =	simm.s32 $0x108;
	_ =	swait.ge @!p0 [sflag:s8], $0x0  }
0x24: {  	s3 =	sadd.s32 $0x88, s3;
	s6 =	simm.s32 @!p1 $0x1082;
	[sflag:s4] =	ssyncset.s32 $0xFFFFF086  }
0x25: {  	[simem:s6], [sflag:s4] =	dma.local [hbm:s3], $0xF7A  }
0x26: {  	[smem:$0x3F9E] =	sst s1;
	(tag) =	ssettag s2;
	_ =	strace s9  }
0x27: {  	s1 =	sld [smem:$0x3FAE]  }
0x28: {  	s2 =	sld [smem:$0x3FAF]  }
0x29: {  	s4 =	sld [smem:$0x3FB1]  }
0x2a: {  	p0 =	seq.s32 s5, $0x0;
	s5 =	sld [smem:$0x3FB2]  }
0x2b: {  	s6 =	sld [smem:$0x3FB3]  }
0x2c: {  	s7 =	sld [smem:$0x3FB4]  }
0x2d: {  	s3 =	simm.s32 $0x108;
	s8 =	sld [smem:$0x3FB5]  }
0x2e: {  	s3 =	simm.s32 @!p0 $0x1082;
	s9 =	sld [smem:$0x3FB6]  }
0x2f: {  	lr =	sadd.s32 s0, s3;
	s0 =	sld [smem:$0x3FAD]  }
0x30: {  	s3 =	sld [smem:$0x3FB0]  }
0x31: {  	[smem:$0x3FB9] =	sst s10  }
0x32: {  	s10 =	sld [smem:$0x3FB7];
	_ =	sdelay $0x3  }
0x33: {  	p0 =	seq.s32 s10, $0x1;
	s10 =	sld [smem:$0x3FB9];
	_ =	sdelay $0x3  }
0x34: {  	[smem:$0x3FB9] =	sst s10  }
0x35: {  	s10 =	sld [smem:$0x3FB8];
	_ =	sdelay $0x3  }
0x36: {  	p1 =	seq.s32 s10, $0x1;
	s10 =	sld [smem:$0x3FB9];
	_ =	sdelay $0x3  }
0x37: {  	[smem:$0x3FB9] =	sst s10  }
0x38: {  	s10 =	sld [smem:$0x3FBA]  }
0x39: {  	_ = 	snop;
	(pc) =	sbr.ind lr, $3  }
0x3a: {  	_ = 	snop  }
0x3b: {  	_ = 	snop  }
0x3c: {  	p2 =	seq.s32 s10, $0x1;
	s10 =	sld [smem:$0x3FB9]  }
0x3d: {  	_ =	shalt  }
0x3e: {  	_ =	shalt  }
0x3f: {  	_ =	shalt  }
0x40: {  	_ =	shalt  }
0x41: {  	_ =	shalt  }
0x42: {  	_ =	shalt  }
0x43: {  	_ =	shalt  }
0x44: {  	_ =	shalt  }
0x45: {  	_ =	shalt  }
0x46: {  	_ =	shalt  }
0x47: {  	_ =	shalt  }
0x48: {  	_ =	shalt  }
0x49: {  	_ =	shalt  }
0x4a: {  	_ =	shalt  }
0x4b: {  	_ =	shalt  }
0x4c: {  	_ =	shalt  }
0x4d: {  	_ =	shalt  }
0x4e: {  	_ =	shalt  }
0x4f: {  	_ =	shalt  }
0x50: {  	_ =	shalt  }
0x51: {  	_ =	shalt  }
0x52: {  	_ =	shalt  }
0x53: {  	_ =	shalt  }
0x54: {  	_ =	shalt  }
0x55: {  	_ =	shalt  }
0x56: {  	_ =	shalt  }
0x57: {  	_ =	shalt  }
0x58: {  	_ =	shalt  }
0x59: {  	_ =	shalt  }
0x5a: {  	_ =	shalt  }
0x5b: {  	_ =	shalt  }
0x5c: {  	_ =	shalt  }
0x5d: {  	_ =	shalt  }
0x5e: {  	_ =	shalt  }
0x5f: {  	_ =	shalt  }
0x60: {  	_ =	shalt  }
0x61: {  	_ =	shalt  }
0x62: {  	_ =	shalt  }
0x63: {  	_ =	shalt  }
0x64: {  	_ =	shalt  }
0x65: {  	_ =	shalt  }
0x66: {  	_ =	shalt  }
0x67: {  	_ =	shalt  }
0x68: {  	_ =	shalt  }
0x69: {  	_ =	shalt  }
0x6a: {  	_ =	shalt  }
0x6b: {  	_ =	shalt  }
0x6c: {  	_ =	shalt  }
0x6d: {  	_ =	shalt  }
0x6e: {  	_ =	shalt  }
0x6f: {  	_ =	shalt  }
0x70: {  	_ =	shalt  }
0x71: {  	_ =	shalt  }
0x72: {  	_ =	shalt  }
0x73: {  	_ =	shalt  }
0x74: {  	_ =	shalt  }
0x75: {  	_ =	shalt  }
0x76: {  	_ =	shalt  }
0x77: {  	_ =	shalt  }
0x78: {  	_ =	shalt  }
0x79: {  	_ =	shalt  }
0x7a: {  	_ =	shalt  }
0x7b: {  	_ =	shalt  }
0x7c: {  	_ =	shalt  }
0x7d: {  	_ =	shalt  }
0x7e: {  	_ =	shalt  }
0x7f: {  	_ =	shalt  }
0x80: {  	_ =	shalt  }
0x81: {  	_ =	shalt  }
0x82: {  	_ =	shalt  }
0x83: {  	_ =	shalt  }
0x84: {  	_ =	shalt  }
0x85: {  	_ =	shalt  }
0x86: {  	_ =	shalt  }
0x87: {  	_ =	shalt  }
.Lfunc_end0:
.L_simem_size_0:
called_computation_lowered:
.L_overlay_start_0:
0x88: {  	s2 =	sld [smem:$0x3FD9]  }
0x89: {  	s3 =	sld [smem:$0x3FFE];
	_ =	sdelay $0x1  }
0x8a: {  	s1 =	srdreg.scid  }
0x8b: {  	s0 =	sand.u32 $0x1, s1  }
0x8c: {  	s18 =	sshll.u32 s0, $0xA;
	s2 =	sadd.s32 s3, s2  }
0x8d: {  	s2 =	sadd.s32 s2, s18  }
0x8e: {  	[smem:$0x3FC5] =	sst s2  }
0x8f: {  	_ = 	snop  }
0x90: {  	s2 =	sld [smem:$0x3FC9]  }
0x91: {  	s19 =	sld [smem:$0x3FC8]  }
0x92: {  	s4 =	sld [smem:$0x3FC7]  }
0x93: {  	s5 =	sld [smem:$0x3FD0];
	(tm) =	ssettm $0x1  }
0x94: {  	s6 =	sld [smem:$0x3FFB];
	_ =	sdelay $0x3  }
0x95: {  	_ =	strace s6  }
0x96: {  	s6 =	sld [smem:$0x3FFC];
	_ =	sdelay $0x3  }
0x97: {  	_ =	strace s6  }
0x98: {  	s6 =	sld [smem:$0x3FFD];
	_ =	sdelay $0x3  }
0x99: {  	_ =	strace s6  }
0x9a: {  	_ =	strace $0x8FFFFFFF  }
0x9b: {  	s20 =	sld [smem:$0x3FDB];
	_ =	sdelay $0x1  }
0x9c: {  	s7 =	simm.s32 $_scs_section_size  }
0x9d: {  	s8 =	simm.s32 $_size__tile_overlayer_lowered;
	s9 =	simm.s32 $_tile_overlayer_lowered  }
0x9e: {  	s23 =	simm.s32 $0x1BFF;
	s22 =	sshll.u32 s9, $0x1;
	s6 =	sadd.s32 s7, s20  }
0x9f: {  	s10 =	simm.s32 $0x0;
	s21 =	sshll.u32 s8, $0x1;
	s8 =	sadd.s32 s22, s6  }
0xa0: {  	[timem:s10], [sflag:s23] =	dma.local [hbm:s8], s21  }
0xa1: {  	_ =	swait.ge [sflag:s23], s21  }
0xa2: {  	s7 =	ssub.s32 $0x0, s21;
	[sflag:s23] =	ssyncset.done $0x0  }
0xa3: {  	[sflag:s23] =	ssyncadd.s32 s7;
	_ =	sdelay $0x1  }
0xa4: {  	s24 =	simm.s32 $0x1B8B  }
0xa5: {  	_ =	swait.ge [sflag:s24], $0x1  }
0xa6: {  	[sflag:s24] =	ssyncset.done $0x0  }
0xa7: {  	s25 =	simm.s32 $0x1B8E;
	[sflag:s24] =	ssyncadd.s32 $0xFFFFFFFF  }
0xa8: {  	s26 =	simm.s32 $execute0_lowered;
	[smem:$0x3FD2] =	sst s25  }
0xa9: {  	s7 =	sshll.u32 s26, $0x1;
	_ =	strace $0x80000046;
	[dreg:$0x1] =	wrdreg $0xFFFFFFFF  }
0xaa: {  	s28 =	simm.s32 $_size_execute0_lowered;
	s6 =	sadd.s32 s6, s7;
	[dreg:$0x0] =	wrdreg $0x0  }
0xab: {  	s7 =	sshll.u32 s28, $0x1;
	[dreg:$0x2] =	wrdreg s6  }
0xac: {  	[dreg:$0x3] =	wrdreg s7  }
0xad: {  	[dreg:$0x4] =	wrdreg $0xC0  }
0xae: {  	_ =	task [dreg:s10], $0x5FFFF  }
0xaf: {  	[dreg:$0x1] =	wrdreg $0xFFFFFFFF  }
0xb0: {  	[dreg:$0x0] =	wrdreg $0x60  }
0xb1: {  	[dreg:$0x2] =	wrdreg s2  }
0xb2: {  	[dreg:$0x3] =	wrdreg s19  }
0xb3: {  	[dreg:$0x4] =	wrdreg s4  }
0xb4: {  	[dreg:$0x5] =	wrdreg s5  }
0xb5: {  	[dreg:$0x6] =	wrdreg $0x9  }
0xb6: {  	_ =	task.clear_ibuf [dreg:s10], $0x7FFFF;
	_ =	strace $0x90000046  }
0xb7: {  	s29 =	simm.s32 $0x9;
	_ =	strace $0x80000048  }
0xb8: {  	_ =	swait.ge [sflag:s29], $0x1  }
0xb9: {  	[sflag:s29] =	ssyncadd.s32 $0xFFFFFFFF  }
0xba: {  	_ =	strace $0x90000048  }
0xbb: {  	_ =	sfence  }
0xbc: {  	s30 =	sld [smem:$0x0];
	_ =	sdelay $0x2  }
0xbd: {  	s31 =	sshll.u32 s1, $0xD;
	s1 =	sshrl.u32 s1, $0x2  }
0xbe: {  	s3 =	sand.u32 $0x4000, s31;
	s1 =	sadd.s32 s1, s30  }
0xbf: {  	s0 =	sor.u32 s3, s0;
	s1 =	sshll.u32 s1, $0x11  }
0xc0: {  	s0 =	sor.u32 s1, s0  }
0xc1: {  	s0 =	sadd.s32 $0x8F2B, s0  }
0xc2: {  	[sflag:s0] =	ssyncadd.remote.s32 $0x1  }
0xc3: {  	_ =	sfence.sel $0xFFFF  }
0xc4: {  	[dreg:$0x0] =	wrdreg $0xFFFFFFFF;
	(pc) =	sbr.abs _section_cstart, $3  }
0xc5: {  	[dreg:$0x1] =	wrdreg $0xFFFFFFFF  }
0xc6: {  	_ =	task.clear_ibuf [dreg:s10], $0x2FFFF;
	_ =	strace $0x9FFFFFFF  }
0xc7: {  	(tm) =	ssettm $0x7FFFFFFF  }
tec
execute0_lowered:
.L_overlay_start_1:
0x0: {  	(tag) =	ssettag $0x1  }
0x1: {  	s0 =	srdreg.scid  }
0x2: {  	s1 =	stileid.u32;
	s13 =	sand.u32 $0x1, s0  }
0x3: {  	s7 =	sor.u32 s1, s13  }
0x4: {  	s2 =	rddreg [dreg:$0x0];
	p0 =	sne.s32 s7, $0x0  }
.Ltmp0:
0x5: {  	s3 =	rddreg [dreg:$0x1];
	(pc) =	sbr.rel @p0 .LBB2_4-.Ltmp0, $4  }
0x6: {  	s4 =	rddreg [dreg:$0x2]  }
0x7: {  	s5 =	rddreg [dreg:$0x3];
	s6 =	simm.s32 $0x0  }
0x8: {  	[smem:$0x7FF] =	sst s6  }
0x9: {  	s0 =	rddreg [dreg:$0x4];
	_ =	strace $0x80000047  }
0xa: {  	[tilespmem:s6], [sflag:$0x1] =	stream.linear.gather [hbm4b:s2+s6], $0x1, $0x38;
	[tilespmem:$0xD80] =	vst v63  }
0xb: {  	s7 =	simm.s32 $0x80;
	s8 =	simm.s32 $0x1  }
0xc: {  	[tilespmem:s7], [sflag:$0x1] =	stream.linear.gather [hbm4b:s4+s6], $0x80, $0x38;
	[tilespmem:$0xD80] =	vst v63  }
0xd: {  	_ =	swait.ge [sflag:s8], $0x1  }
0xe: {  	[sflag:s8] =	ssyncset.done $0x0  }
0xf: {  	[sflag:s8] =	ssyncadd.s32 $0xFFFFFFFF  }
0x10: {  	_ =	swait.ge [sflag:s8], $0x80  }
0x11: {  	[sflag:s8] =	ssyncset.done $0x0  }
0x12: {  	[sflag:s8] =	ssyncadd.s32 $0xFFFFFF80  }
0x13: {  	v0 =	vld [tilespmem:$0x0];
	_ =	sdelay $0x4  }
0x14: {  	(v2sf) =	vpush v0, $0x0;
	_ =	sdelay $0xe  }
0x15: {  	s14 =	spop (v2sf)  }
0x16: {  	s9 =	sand.u32 $0x7F, s14  }
0x17: {  	vm0 =	vcmask $0x300;
	v0 =	vimm.s32 $0xB80;
	s10 =	sshra.s32 s14, $0x1F;
	p0 =	slt.s32 s14, $0x1;
	p1 =	sne.s32 s9, $0x0  }
0x18: {  	v0 =	vsel vm0, $0x800, v0;
	vm0 =	vcmask $0x704;
	s29 =	sshrl.u32 s10, $0x19;
	p0 =	por !p0, !p1  }
0x19: {  	v3 =	vimm.s32 $0x13121110;
	v0 =	vsel vm0, $0x880, v0;
	vm0 =	vcmask $0xB08;
	s10 =	simm.s32 $0x1;
	s9 =	sadd.s32 s29, s14;
	p0 =	por !p0, !p0  }
0x1a: {  	v4 =	vimm.s32 $0x17161514;
	v0 =	vsel vm0, $0x900, v0;
	vm0 =	vcmask $0xF0C;
	s9 =	sshrl.u32 s9, $0x7;
	s10 =	simm.s32 @!p0 $0x0  }
0x1b: {  	v3 =	vunpack.c.0.s8.s32 v3;
	v1 =	vsel vm0, $0x980, v0;
	vm0 =	vcmask $0x1310;
	s10 =	ssub.s32 s9, s10  }
0x1c: {  	s11 =	simm.s32 $0x100;
	v4 =	vunpack.c.0.s8.s32 v4;
	v2 =	vsel vm0, $0xA00, v1;
	vm0 =	vcmask $0x1714;
	s15 =	sshll.u32 s10, $0x7  }
0x1d: {  	s12 =	simm.s32 $0x2;
	v0 =	vlaneseq.u32;
	v2 =	vsel vm0, $0xA80, v2;
	vm0 =	vcmask $0x1B18;
	s9 =	simm.s32 $0x7A1400;
	s16 =	sand.u32 $0x1FFFFF80, s15  }
0x1e: {  	v1 =	vmul.u32 $0x80, v0;
	v2 =	vsel vm0, $0xB00, v2;
	vm0 =	vcmask $0xF00;
	s10 =	simm.s32 $0x400;
	s14 =	ssub.s32 s14, s15;
	s30 =	sadd.s32 s3, s16  }
0x1f: {  	v3 =	vnsel vm0, $0x17, v3;
	vm0 =	vcmask $0x1F10;
	v5 =	vadd.s32 s14, v2;
	[tilespmem:s11], [sflag:$0x2] =	stream.strided.gather [hbm4b:s30+s10], $0xC00, s9, s10, $0x38;
	[tilespmem:$0xD80] =	vst v63  }
0x20: {  	v3 =	vsel vm0, v4, v3;
	_ =	swait.ge [sflag:s12], $0xC00  }
0x21: {  	v4 =	vadd.s32 s14, v1;
	[sflag:s12] =	ssyncset.done $0x0  }
0x22: {  	[sflag:s12] =	ssyncadd.s32 $0xFFFFF400  }
0x23: {  	v6 =	vld.idx.msk [tilespmem:v0+s7+$0x0], $0xffff  }
0x24: {  	v5 =	vld.idx.msk [tilespmem:v5+s11+$0x0], $0xffff  }
0x25: {  	v7 =	vld.idx.msk [tilespmem:v3+s7+$0x0], $0xffff  }
0x26: {  	v4 =	vld.idx.msk [tilespmem:v4+s11+$0x0], $0xffff;
	_ =	sdelay $0x3  }
0x27: {  	v5 =	vmul.f32 v7, v5  }
0x28: {  	vm0 =	vmmov $0xff;
	v4 =	vmul.f32 v6, v4  }
0x29: {  	v5 =	vnsel vm0, $0x0, v5  }
0x2a: {  	v4 =	vadd.f32 v5, v4;
	_ =	sdelay $0x1  }
0x2b: {  	(xrf2) =	vadd.scan.msk.f32 $0xffff, v4;
	_ =	sdelay $0x9  }
0x2c: {  	v4, _, _ =	vpop (xrf2)  }
0x2d: {  	v4 =	vsub.f32 $0.0e+00, v4;
	_ =	sdelay $0x1  }
0x2e: {  	v4 =	vmul.f32 $1.442695020e+00, v4;
	_ =	sdelay $0x1  }
0x2f: {  	v4 =	vbroadcast v4, $0xF;
	_ =	sdelay $0x1  }
0x30: {  	(erf) = vpow2.f32 v4;
	_ =	sdelay $0x8  }
0x31: {  	v4 =	vpop (erf)  }
0x32: {  	v4 =	vadd.f32 $1.000000000e+00, v4;
	_ =	sdelay $0x1  }
0x33: {  	(erf) = vrcp.f32 v4;
	_ =	sdelay $0x1  }
0x34: {  	s13 =	ssub.s32 $0x2, s13  }
0x35: {  	s31 =	sshrl.u32 s13, $0x1  }
0x36: {  	s14 =	ssub.s32 s13, s31  }
0x37: {  	p0 =	sne.s32 s14, $0x1  }
.Ltmp1:
0x38: {  	_ = 	snop;
	(pc) =	sbr.rel @!p0 .LBB2_3-.Ltmp1, $3  }
0x39: {  	_ =	sdelay $0x1  }
0x3a: {  	v4 =	vpop (erf)  }
0x3b: {  	s13 =	simm.s32 $0xD00;
	s14 =	sadd.s32 $0xFFFFFFFF, s14;
	[tilespmem:$0xD00] =	vst v4  }
.LBB2_2:
0x3c: {  	[hbm4b:s5+s6] =	stream.linear.scatter [tilespmem:s13], [sflag:$0x2], $0x1, $0x38;
	[tilespmem:$0xD80] =	vst v63  }
0x3d: {  	p0 =	sne.s32 s14, $0x1;
	s14 =	sadd.s32 $0xFFFFFFFF, s14;
	_ =	swait.ge [sflag:s12], $0x1  }
0x3e: {  	[sflag:s12] =	ssyncset.done $0x0  }
0x3f: {  	[sflag:s12] =	ssyncadd.s32 $0xFFFFFFFF  }
0x40: {  	[tilespmem:s6], [sflag:$0x1] =	stream.linear.gather [hbm4b:s2+s6], $0x1, $0x38;
	[tilespmem:$0xD80] =	vst v63  }
0x41: {  	_ = 	snop  }
0x42: {  	[tilespmem:s7], [sflag:$0x1] =	stream.linear.gather [hbm4b:s4+s6], $0x80, $0x38;
	[tilespmem:$0xD80] =	vst v63  }
0x43: {  	_ =	swait.ge [sflag:s8], $0x1  }
0x44: {  	[sflag:s8] =	ssyncset.done $0x0  }
0x45: {  	[sflag:s8] =	ssyncadd.s32 $0xFFFFFFFF  }
0x46: {  	_ =	swait.ge [sflag:s8], $0x80  }
0x47: {  	[sflag:s8] =	ssyncset.done $0x0  }
0x48: {  	[sflag:s8] =	ssyncadd.s32 $0xFFFFFF80  }
0x49: {  	v4 =	vld [tilespmem:$0x0];
	_ =	sdelay $0x4  }
0x4a: {  	(v2sf) =	vpush v4, $0x0;
	_ =	sdelay $0xe  }
0x4b: {  	s15 =	spop (v2sf)  }
0x4c: {  	s16 =	sshra.s32 s15, $0x1F;
	s17 =	sand.u32 $0x7F, s15  }
0x4d: {  	p1 =	slt.s32 s15, $0x1;
	s16 =	sshrl.u32 s16, $0x19;
	p2 =	sne.s32 s17, $0x0  }
0x4e: {  	s16 =	sadd.s32 s16, s15;
	p1 =	por !p1, !p2  }
0x4f: {  	s17 =	simm.s32 $0x1;
	p1 =	por !p1, !p1  }
0x50: {  	s16 =	sshrl.u32 s16, $0x7;
	s17 =	simm.s32 @!p1 $0x0  }
0x51: {  	s16 =	ssub.s32 s16, s17  }
0x52: {  	s16 =	sshll.u32 s16, $0x7  }
0x53: {  	s17 =	sand.u32 $0x1FFFFF80, s16;
	s15 =	ssub.s32 s15, s16  }
0x54: {  	s16 =	sadd.s32 s3, s17;
	v4 =	vadd.s32 s15, v1;
	v5 =	vadd.s32 s15, v2  }
0x55: {  	[tilespmem:s11], [sflag:$0x2] =	stream.strided.gather [hbm4b:s16+s10], $0xC00, s9, s10, $0x38;
	[tilespmem:$0xD80] =	vst v63  }
0x56: {  	_ =	swait.ge [sflag:s12], $0xC00  }
0x57: {  	[sflag:s12] =	ssyncset.done $0x0  }
0x58: {  	[sflag:s12] =	ssyncadd.s32 $0xFFFFF400  }
0x59: {  	v6 =	vld.idx.msk [tilespmem:v0+s7+$0x0], $0xffff  }
0x5a: {  	v4 =	vld.idx.msk [tilespmem:v4+s11+$0x0], $0xffff  }
0x5b: {  	v5 =	vld.idx.msk [tilespmem:v5+s11+$0x0], $0xffff  }
0x5c: {  	v7 =	vld.idx.msk [tilespmem:v3+s7+$0x0], $0xffff;
	_ =	sdelay $0x3  }
0x5d: {  	v4 =	vmul.f32 v6, v4;
	_ =	sdelay $0x1  }
0x5e: {  	v5 =	vmul.f32 v7, v5;
	_ =	sdelay $0x1  }
0x5f: {  	v5 =	vnsel vm0, $0x0, v5  }
0x60: {  	v4 =	vadd.f32 v5, v4;
	_ =	sdelay $0x1  }
0x61: {  	(xrf2) =	vadd.scan.msk.f32 $0xffff, v4;
	_ =	sdelay $0x9  }
0x62: {  	v4, _, _ =	vpop (xrf2)  }
0x63: {  	v4 =	vsub.f32 $0.0e+00, v4;
	_ =	sdelay $0x1  }
0x64: {  	v4 =	vmul.f32 $1.442695020e+00, v4;
	_ =	sdelay $0x1  }
0x65: {  	v4 =	vbroadcast v4, $0xF;
	_ =	sdelay $0x1  }
0x66: {  	(erf) = vpow2.f32 v4;
	_ =	sdelay $0x8  }
0x67: {  	v4 =	vpop (erf)  }
0x68: {  	v4 =	vadd.f32 $1.000000000e+00, v4;
	_ =	sdelay $0x1  }
0x69: {  	(erf) = vrcp.f32 v4;
	_ =	sdelay $0x5  }
.Ltmp2:
0x6a: {  	(pc) =	sbr.rel @p0 .LBB2_2-.Ltmp2, $3  }
0x6b: {  	_ =	sdelay $0x1  }
0x6c: {  	v4 =	vpop (erf)  }
0x6d: {  	[tilespmem:$0xD00] =	vst v4  }
.LBB2_3:
0x6e: {  	[hbm4b:s5+s6] =	stream.linear.scatter [tilespmem:s13], [sflag:$0x2], $0x1, $0x38;
	[tilespmem:$0xD80] =	vst v63  }
0x6f: {  	_ =	swait.ge [sflag:s12], $0x1  }
0x70: {  	[sflag:s12] =	ssyncset.done $0x0  }
0x71: {  	[sflag:s12] =	ssyncadd.s32 $0xFFFFFFFF  }
.LBB2_4:
0x72: {  	_ =	sfence.sel $0x180000  }
0x73: {  	[bflag:$0x0] =	sbarrier.arrive $0xFFFF  }
0x74: {  	p0 =	sne.s32 s1, $0x0;
	_ =	strace $0x90000047  }
0x75: {  	s0 =	sadd.s32 @!p0 $0x100000, s0;
	[bflag:$0x2] =	sbarrier.arrive $0xFFFF  }
0x76: {  	[sflag:s0] =	ssyncadd.tile.s32 @!p0 $0x1;
	_ =	shalt  }
.Lfunc_end2:
_tile_overlayer_lowered:
.L_overlay_start_2:
0x77: {  	(tag) =	ssettag $0x2  }
0x78: {  	s0 =	rddreg [dreg:$0x0];
	s2 =	stileid.u32  }
0x79: {  	s1 =	rddreg [dreg:$0x1];
	p0 =	sne.s32 s2, $0x0  }
0x7a: {  	s3 =	rddreg [dreg:$0x2];
	[bflag:$0x3] =	sbarrier.arrive $0xFFFF;
	s2 =	simm.s32 @!p0 $0x1C02  }
0x7b: {  	[timem:s3], [sflag:s2] =	dma.local @!p0 [hbm:s0], s1  }
0x7c: {  	s0 =	simm.s32 @!p0 $0x2  }
0x7d: {  	_ =	swait.ge @!p0 [sflag:s0], s1  }
0x7e: {  	s1 =	ssub.s32 @!p0 $0x0, s1;
	[sflag:s0] =	ssyncset.done @!p0 $0x0  }
0x7f: {  	[sflag:s0] =	ssyncadd.s32 @!p0 s1  }
0x80: {  	[bflag:$0x3] =	sbarrier.arrive $0xFFFF  }
0x81: {  	_ =	shalt  }

</sc_bundles>
